<compile_context>
chip_gen: v7x
topology: tpu7x:2x2x1
jax: 0.10.2.dev20260603
libtpu: 0.0.44.dev20260713+nightly
codegen_flags: <defaults>
</compile_context>

<pallas_src>
import functools

import jax
import jax.numpy as jnp
from jax import lax
from jax.experimental import pallas as pl
from jax.experimental.pallas import tpu as pltpu
from jax.experimental.pallas import tpu_sc as plsc

_INFO = plsc.get_sparse_core_info()
_NC, _NS = _INFO.num_cores, _INFO.num_subcores
_NW = _NC * _NS

_C = 4
_NBUF = 3


@jax.jit
def _gather_rows(idx2, table):
    n_rows_total, c = idx2.shape
    N = n_rows_total * c
    V, D = table.shape
    b_per_w = N // _NW
    n_chunks = b_per_w // _C
    n_rounds = n_chunks // _NBUF + 1
    mesh = plsc.VectorSubcoreMesh(core_axis_name="c", subcore_axis_name="s")

    @functools.partial(
        pl.kernel,
        mesh=mesh,
        out_type=jax.ShapeDtypeStruct((N, D), jnp.float32),
        scratch_types=[
            pltpu.VMEM((n_chunks, _C), jnp.int32),
            pltpu.VMEM((_NBUF, _C, D), jnp.float32),
        ] + [pltpu.SemaphoreType.DMA] * (2 * _NBUF),
    )
    def body(idx_hbm, table_hbm, out_hbm, idx_v, rows_v, *sems):
        gsem = sems[:_NBUF]
        ssem = sems[_NBUF:]
        wid = lax.axis_index("s") * _NC + lax.axis_index("c")
        base = wid * b_per_w
        pltpu.sync_copy(idx_hbm.at[pl.ds(wid * n_chunks, n_chunks), :], idx_v)

        def gather_copy(ch, b):
            return pltpu.make_async_copy(
                table_hbm.at[idx_v.at[ch]], rows_v.at[b], gsem[b])

        def scatter_copy(ch, b):
            return pltpu.make_async_copy(
                rows_v.at[b], out_hbm.at[pl.ds(base + ch * _C, _C)], ssem[b])

        gather_copy(0, 0).start()

        def round_(s, carry):
            for b in range(_NBUF):
                ch = s * _NBUF + b
                bn = (b + 1) % _NBUF

                @pl.when(jnp.logical_and(ch >= _NBUF - 1,
                                         ch - (_NBUF - 1) < n_chunks))
                def _():
                    scatter_copy(ch - (_NBUF - 1), bn).wait()

                @pl.when(ch + 1 < n_chunks)
                def _():
                    gather_copy(ch + 1, bn).start()

                @pl.when(ch < n_chunks)
                def _():
                    gather_copy(ch, b).wait()
                    scatter_copy(ch, b).start()
            return carry

        lax.fori_loop(0, n_rounds, round_, 0)

    return body(idx2, table)


def kernel(X, table):
    B, T = X.shape
    idx2 = X.reshape(B * T // _C, _C).astype(jnp.int32)
    out = _gather_rows(idx2, table)
    return out.reshape(B, T, table.shape[1])

# --- scband reference (transcript-rebuilt; emitter-appended) ---
"""Pipeline reference for scband-bigram-language-model-11751030521963 (READ-ONLY COPY).

The authoritative reference and input builder live on the scoring server;
editing this copy changes nothing except your own understanding.
"""

import jax, jax.numpy as jnp
import numpy as np

VOCAB = 8192
B, T = 16, 512

def setup_inputs(seed: int = 0) -> dict:
    key = jax.random.key(seed)
    k1, k2 = jax.random.split(key)
    X = jax.random.randint(k1, (B, T), 0, VOCAB, dtype=jnp.int64 if jax.config.jax_enable_x64 else jnp.int32)
    table = jax.random.normal(k2, (VOCAB, VOCAB), dtype=jnp.float32) * 0.02
    return {"X": X, "table": table}

def reference(X, table):
    # BigramLanguageModel.forward with Y=None:
    # logits = token_embedding_table(X) -> gather rows of [VOCAB, VOCAB] table
    logits = jnp.take(table, X, axis=0)  # [B, T, VOCAB]
    return logits

if __name__ == "__main__":
    import jax
    _d = setup_inputs()
    print(jax.jit(kernel)(*tuple(_d.values())))

</pallas_src>

<mosaic_0001>
#map = affine_map<(d0, d1) -> (0, 0)>
module attributes {stable_mosaic.version = 14 : i64} {
  func.func @body(%arg0: i32, %arg1: i32, %arg2: memref<2048x4xi32, #tpu.memory_space<hbm>>, %arg3: memref<8192x8192xf32, #tpu.memory_space<hbm>>, %arg4: memref<8192x8192xf32, #tpu.memory_space<hbm>>, %arg5: memref<64x4xi32, #tpu.memory_space<vmem>>, %arg6: memref<3x4x8192xf32, #tpu.memory_space<vmem>>, %arg7: memref<!tpu.dma_semaphore, #tpu.memory_space<semaphore_mem>>, %arg8: memref<!tpu.dma_semaphore, #tpu.memory_space<semaphore_mem>>, %arg9: memref<!tpu.dma_semaphore, #tpu.memory_space<semaphore_mem>>, %arg10: memref<!tpu.dma_semaphore, #tpu.memory_space<semaphore_mem>>, %arg11: memref<!tpu.dma_semaphore, #tpu.memory_space<semaphore_mem>>, %arg12: memref<!tpu.dma_semaphore, #tpu.memory_space<semaphore_mem>>) attributes {dimension_semantics = [#tpu.dimension_semantics<core_parallel>, #tpu.dimension_semantics<subcore_parallel>], iteration_bounds = array<i64: 2, 16>, scalar_prefetch = 0 : i64, scratch_operands = 8 : i64, tpu.core_type = #tpu.core_type<sc_vector_subcore>, window_params = [{transform_indices = #map}, {transform_indices = #map}, {transform_indices = #map}]} {
    %mul3A = arith.constant 2 : i32
    %mul3A_0 = arith.muli %arg1, %mul3A : i32
    %add3A = arith.addi %mul3A_0, %arg0 : i32
    %mul3A_1 = arith.constant 256 : i32
    %mul3A_2 = arith.muli %add3A, %mul3A_1 : i32
    %mul3A_3 = arith.constant 64 : i32
    %mul3A_4 = arith.muli %add3A, %mul3A_3 : i32
    "tpu.region"() ({
      %run_scoped3A = tpu.sem_alloc : memref<!tpu.dma_semaphore, #tpu.memory_space<semaphore_mem>>
      %dma_start3A_21 = arith.constant 0 : i32
      %dma_start3A_22 = tpu.memref_slice %arg2[%mul3A_4, %dma_start3A_21] : memref<2048x4xi32, #tpu.memory_space<hbm>> -> memref<64x4xi32, #tpu.memory_space<hbm>>
      %dma_start3A_23 = arith.constant 0 : i32
      %dma_start3A_24 = tpu.memref_slice %arg2[%mul3A_4, %dma_start3A_23] : memref<2048x4xi32, #tpu.memory_space<hbm>> -> memref<64x4xi32, #tpu.memory_space<hbm>>
      tpu.enqueue_dma source(%dma_start3A_24 : memref<64x4xi32, #tpu.memory_space<hbm>>) target(%arg5 : memref<64x4xi32, #tpu.memory_space<vmem>>) target_semaphore(%run_scoped3A : memref<!tpu.dma_semaphore, #tpu.memory_space<semaphore_mem>>)
      %dma_wait3A = arith.constant 0 : i32
      %dma_wait3A_25 = tpu.memref_slice %arg2[%mul3A_4, %dma_wait3A] : memref<2048x4xi32, #tpu.memory_space<hbm>> -> memref<64x4xi32, #tpu.memory_space<hbm>>
      %dma_wait3A_26 = arith.constant 0 : i32
      %dma_wait3A_27 = tpu.memref_slice %arg2[%mul3A_4, %dma_wait3A_26] : memref<2048x4xi32, #tpu.memory_space<hbm>> -> memref<64x4xi32, #tpu.memory_space<hbm>>
      tpu.wait_dma2 semaphore(%run_scoped3A : memref<!tpu.dma_semaphore, #tpu.memory_space<semaphore_mem>>) src(%dma_wait3A_27 : memref<64x4xi32, #tpu.memory_space<hbm>>) dst(%arg5 : memref<64x4xi32, #tpu.memory_space<vmem>>)
      tpu.yield
    }) : () -> ()
    %dma_start3A = arith.constant 0 : i32
    %dma_start3A_5 = arith.constant 0 : i32
    %dma_start3A_6 = arith.constant 0 : i32
    %dma_start3A_7 = arith.constant 0 : i32
    %dma_start3A_8 = tpu.memref_slice %arg6[%dma_start3A_5, %dma_start3A_6, %dma_start3A_7] : memref<3x4x8192xf32, #tpu.memory_space<vmem>> -> memref<1x4x8192xf32, #tpu.memory_space<vmem>>
    %dma_start3A_9 = tpu.memref_squeeze %dma_start3A_8 : memref<1x4x8192xf32, #tpu.memory_space<vmem>> -> memref<4x8192xf32, #tpu.memory_space<vmem>>
    %dma_start3A_10 = arith.constant 0 : i32
    %dma_start3A_11 = tpu.memref_slice %arg5[%dma_start3A, %dma_start3A_10] : memref<64x4xi32, #tpu.memory_space<vmem>> -> memref<1x4xi32, #tpu.memory_space<vmem>>
    %dma_start3A_12 = tpu.memref_squeeze %dma_start3A_11 : memref<1x4xi32, #tpu.memory_space<vmem>> -> memref<4xi32, #tpu.memory_space<vmem>>
    %dma_start3A_13 = arith.constant 0 : i32
    %dma_start3A_14 = arith.constant 0 : i32
    %dma_start3A_15 = tpu.memref_slice %arg3[%dma_start3A_13, %dma_start3A_14] : memref<8192x8192xf32, #tpu.memory_space<hbm>> -> memref<8192x8192xf32, #tpu.memory_space<hbm>>
    tpu.enqueue_indirect_dma source(%dma_start3A_15 : memref<8192x8192xf32, #tpu.memory_space<hbm>>) target(%dma_start3A_9 : memref<4x8192xf32, #tpu.memory_space<vmem>>) offsets(%dma_start3A_12 : memref<4xi32, #tpu.memory_space<vmem>>) semaphore(%arg7 : memref<!tpu.dma_semaphore, #tpu.memory_space<semaphore_mem>>)
    %scan3A = arith.constant 0 : i32
    %scan3A_16 = arith.constant 0 : i32
    %scan3A_17 = arith.constant 22 : i32
    %scan3A_18 = arith.addi %scan3A_16, %scan3A_17 : i32
    %scan3A_19 = arith.constant 1 : i32
    scf.for %scan3A_21 = %scan3A_16 to %scan3A_18 step %scan3A_19  : i32 {
      %mul3A_22 = arith.constant 3 : i32
      %mul3A_23 = arith.muli %scan3A_21, %mul3A_22 : i32
      %add3A_24 = arith.constant 0 : i32
      %add3A_25 = arith.addi %mul3A_23, %add3A_24 : i32
      %ge3A = arith.constant 2 : i32
      %ge3A_26 = arith.cmpi sge, %add3A_25, %ge3A : i32
      %sub3A = arith.constant 2 : i32
      %sub3A_27 = arith.subi %add3A_25, %sub3A : i32
      %lt3A = arith.constant 64 : i32
      %lt3A_28 = arith.cmpi slt, %sub3A_27, %lt3A : i32
      %and3A = arith.andi %ge3A_26, %lt3A_28 : i1
      %convert_element_type3A = arith.extui %and3A : i1 to i32
      %cond3A = arith.constant 0 : i32
      %cond3A_29 = arith.cmpi ne, %convert_element_type3A, %cond3A : i32
      scf.if %cond3A_29 {
        %sub3A_94 = arith.constant 2 : i32
        %sub3A_95 = arith.subi %add3A_25, %sub3A_94 : i32
        %mul3A_96 = arith.constant 4 : i32
        %mul3A_97 = arith.muli %sub3A_95, %mul3A_96 : i32
        %add3A_98 = arith.addi %mul3A_2, %mul3A_97 : i32
        %dma_wait3A = arith.constant 1 : i32
        %dma_wait3A_99 = arith.constant 0 : i32
        %dma_wait3A_100 = arith.constant 0 : i32
        %dma_wait3A_101 = tpu.memref_slice %arg6[%dma_wait3A, %dma_wait3A_99, %dma_wait3A_100] : memref<3x4x8192xf32, #tpu.memory_space<vmem>> -> memref<1x4x8192xf32, #tpu.memory_space<vmem>>
        %dma_wait3A_102 = tpu.memref_squeeze %dma_wait3A_101 : memref<1x4x8192xf32, #tpu.memory_space<vmem>> -> memref<4x8192xf32, #tpu.memory_space<vmem>>
        %dma_wait3A_103 = arith.constant 0 : i32
        %dma_wait3A_104 = tpu.memref_slice %arg4[%add3A_98, %dma_wait3A_103] : memref<8192x8192xf32, #tpu.memory_space<hbm>> -> memref<4x8192xf32, #tpu.memory_space<hbm>>
        %dma_wait3A_105 = arith.constant 0 : i32
        %dma_wait3A_106 = tpu.memref_slice %arg4[%add3A_98, %dma_wait3A_105] : memref<8192x8192xf32, #tpu.memory_space<hbm>> -> memref<4x8192xf32, #tpu.memory_space<hbm>>
        %dma_wait3A_107 = arith.constant 0 : i32
        %dma_wait3A_108 = arith.constant 0 : i32
        %dma_wait3A_109 = tpu.memref_slice %arg6[%dma_wait3A, %dma_wait3A_107, %dma_wait3A_108] : memref<3x4x8192xf32, #tpu.memory_space<vmem>> -> memref<1x4x8192xf32, #tpu.memory_space<vmem>>
        %dma_wait3A_110 = tpu.memref_squeeze %dma_wait3A_109 : memref<1x4x8192xf32, #tpu.memory_space<vmem>> -> memref<4x8192xf32, #tpu.memory_space<vmem>>
        tpu.wait_dma2 semaphore(%arg11 : memref<!tpu.dma_semaphore, #tpu.memory_space<semaphore_mem>>) src(%dma_wait3A_110 : memref<4x8192xf32, #tpu.memory_space<vmem>>) dst(%dma_wait3A_106 : memref<4x8192xf32, #tpu.memory_space<hbm>>)
      } else {
      }
      %add3A_30 = arith.constant 1 : i32
      %add3A_31 = arith.addi %add3A_25, %add3A_30 : i32
      %lt3A_32 = arith.constant 64 : i32
      %lt3A_33 = arith.cmpi slt, %add3A_31, %lt3A_32 : i32
      %convert_element_type3A_34 = arith.extui %lt3A_33 : i1 to i32
      %cond3A_35 = arith.constant 0 : i32
      %cond3A_36 = arith.cmpi ne, %convert_element_type3A_34, %cond3A_35 : i32
      scf.if %cond3A_36 {
        %add3A_94 = arith.constant 1 : i32
        %add3A_95 = arith.addi %add3A_25, %add3A_94 : i32
        %dma_start3A_96 = arith.constant 1 : i32
        %dma_start3A_97 = arith.constant 0 : i32
        %dma_start3A_98 = arith.constant 0 : i32
        %dma_start3A_99 = tpu.memref_slice %arg6[%dma_start3A_96, %dma_start3A_97, %dma_start3A_98] : memref<3x4x8192xf32, #tpu.memory_space<vmem>> -> memref<1x4x8192xf32, #tpu.memory_space<vmem>>
        %dma_start3A_100 = tpu.memref_squeeze %dma_start3A_99 : memref<1x4x8192xf32, #tpu.memory_space<vmem>> -> memref<4x8192xf32, #tpu.memory_space<vmem>>
        %dma_start3A_101 = arith.constant 0 : i32
        %dma_start3A_102 = tpu.memref_slice %arg5[%add3A_95, %dma_start3A_101] : memref<64x4xi32, #tpu.memory_space<vmem>> -> memref<1x4xi32, #tpu.memory_space<vmem>>
        %dma_start3A_103 = tpu.memref_squeeze %dma_start3A_102 : memref<1x4xi32, #tpu.memory_space<vmem>> -> memref<4xi32, #tpu.memory_space<vmem>>
        %dma_start3A_104 = arith.constant 0 : i32
        %dma_start3A_105 = arith.constant 0 : i32
        %dma_start3A_106 = tpu.memref_slice %arg3[%dma_start3A_104, %dma_start3A_105] : memref<8192x8192xf32, #tpu.memory_space<hbm>> -> memref<8192x8192xf32, #tpu.memory_space<hbm>>
        tpu.enqueue_indirect_dma source(%dma_start3A_106 : memref<8192x8192xf32, #tpu.memory_space<hbm>>) target(%dma_start3A_100 : memref<4x8192xf32, #tpu.memory_space<vmem>>) offsets(%dma_start3A_103 : memref<4xi32, #tpu.memory_space<vmem>>) semaphore(%arg8 : memref<!tpu.dma_semaphore, #tpu.memory_space<semaphore_mem>>)
      } else {
      }
      %lt3A_37 = arith.constant 64 : i32
      %lt3A_38 = arith.cmpi slt, %add3A_25, %lt3A_37 : i32
      %convert_element_type3A_39 = arith.extui %lt3A_38 : i1 to i32
      %cond3A_40 = arith.constant 0 : i32
      %cond3A_41 = arith.cmpi ne, %convert_element_type3A_39, %cond3A_40 : i32
      scf.if %cond3A_41 {
        %dma_wait3A = arith.constant 0 : i32
        %dma_wait3A_94 = arith.constant 0 : i32
        %dma_wait3A_95 = arith.constant 0 : i32
        %dma_wait3A_96 = tpu.memref_slice %arg6[%dma_wait3A, %dma_wait3A_94, %dma_wait3A_95] : memref<3x4x8192xf32, #tpu.memory_space<vmem>> -> memref<1x4x8192xf32, #tpu.memory_space<vmem>>
        %dma_wait3A_97 = tpu.memref_squeeze %dma_wait3A_96 : memref<1x4x8192xf32, #tpu.memory_space<vmem>> -> memref<4x8192xf32, #tpu.memory_space<vmem>>
        %dma_wait3A_98 = arith.constant 0 : i32
        %dma_wait3A_99 = tpu.memref_slice %arg5[%add3A_25, %dma_wait3A_98] : memref<64x4xi32, #tpu.memory_space<vmem>> -> memref<1x4xi32, #tpu.memory_space<vmem>>
        %dma_wait3A_100 = tpu.memref_squeeze %dma_wait3A_99 : memref<1x4xi32, #tpu.memory_space<vmem>> -> memref<4xi32, #tpu.memory_space<vmem>>
        %dma_wait3A_101 = arith.constant 0 : i32
        %dma_wait3A_102 = arith.constant 0 : i32
        %dma_wait3A_103 = tpu.memref_slice %arg3[%dma_wait3A_101, %dma_wait3A_102] : memref<8192x8192xf32, #tpu.memory_space<hbm>> -> memref<8192x8192xf32, #tpu.memory_space<hbm>>
        tpu.wait_indirect_dma semaphore(%arg7 : memref<!tpu.dma_semaphore, #tpu.memory_space<semaphore_mem>>) src(%dma_wait3A_103 : memref<8192x8192xf32, #tpu.memory_space<hbm>>) dst(%dma_wait3A_97 : memref<4x8192xf32, #tpu.memory_space<vmem>>)
        %mul3A_104 = arith.constant 4 : i32
        %mul3A_105 = arith.muli %add3A_25, %mul3A_104 : i32
        %add3A_106 = arith.addi %mul3A_2, %mul3A_105 : i32
        %dma_start3A_107 = arith.constant 0 : i32
        %dma_start3A_108 = arith.constant 0 : i32
        %dma_start3A_109 = arith.constant 0 : i32
        %dma_start3A_110 = tpu.memref_slice %arg6[%dma_start3A_107, %dma_start3A_108, %dma_start3A_109] : memref<3x4x8192xf32, #tpu.memory_space<vmem>> -> memref<1x4x8192xf32, #tpu.memory_space<vmem>>
        %dma_start3A_111 = tpu.memref_squeeze %dma_start3A_110 : memref<1x4x8192xf32, #tpu.memory_space<vmem>> -> memref<4x8192xf32, #tpu.memory_space<vmem>>
        %dma_start3A_112 = arith.constant 0 : i32
        %dma_start3A_113 = tpu.memref_slice %arg4[%add3A_106, %dma_start3A_112] : memref<8192x8192xf32, #tpu.memory_space<hbm>> -> memref<4x8192xf32, #tpu.memory_space<hbm>>
        %dma_start3A_114 = arith.constant 0 : i32
        %dma_start3A_115 = tpu.memref_slice %arg4[%add3A_106, %dma_start3A_114] : memref<8192x8192xf32, #tpu.memory_space<hbm>> -> memref<4x8192xf32, #tpu.memory_space<hbm>>
        %dma_start3A_116 = arith.constant 0 : i32
        %dma_start3A_117 = arith.constant 0 : i32
        %dma_start3A_118 = tpu.memref_slice %arg6[%dma_start3A_107, %dma_start3A_116, %dma_start3A_117] : memref<3x4x8192xf32, #tpu.memory_space<vmem>> -> memref<1x4x8192xf32, #tpu.memory_space<vmem>>
        %dma_start3A_119 = tpu.memref_squeeze %dma_start3A_118 : memref<1x4x8192xf32, #tpu.memory_space<vmem>> -> memref<4x8192xf32, #tpu.memory_space<vmem>>
        tpu.enqueue_dma source(%dma_start3A_119 : memref<4x8192xf32, #tpu.memory_space<vmem>>) target(%dma_start3A_115 : memref<4x8192xf32, #tpu.memory_space<hbm>>) target_semaphore(%arg10 : memref<!tpu.dma_semaphore, #tpu.memory_space<semaphore_mem>>)
      } else {
      }
      %mul3A_42 = arith.constant 3 : i32
      %mul3A_43 = arith.muli %scan3A_21, %mul3A_42 : i32
      %add3A_44 = arith.constant 1 : i32
      %add3A_45 = arith.addi %mul3A_43, %add3A_44 : i32
      %ge3A_46 = arith.constant 2 : i32
      %ge3A_47 = arith.cmpi sge, %add3A_45, %ge3A_46 : i32
      %sub3A_48 = arith.constant 2 : i32
      %sub3A_49 = arith.subi %add3A_45, %sub3A_48 : i32
      %lt3A_50 = arith.constant 64 : i32
      %lt3A_51 = arith.cmpi slt, %sub3A_49, %lt3A_50 : i32
      %and3A_52 = arith.andi %ge3A_47, %lt3A_51 : i1
      %convert_element_type3A_53 = arith.extui %and3A_52 : i1 to i32
      %cond3A_54 = arith.constant 0 : i32
      %cond3A_55 = arith.cmpi ne, %convert_element_type3A_53, %cond3A_54 : i32
      scf.if %cond3A_55 {
        %sub3A_94 = arith.constant 2 : i32
        %sub3A_95 = arith.subi %add3A_45, %sub3A_94 : i32
        %mul3A_96 = arith.constant 4 : i32
        %mul3A_97 = arith.muli %sub3A_95, %mul3A_96 : i32
        %add3A_98 = arith.addi %mul3A_2, %mul3A_97 : i32
        %dma_wait3A = arith.constant 2 : i32
        %dma_wait3A_99 = arith.constant 0 : i32
        %dma_wait3A_100 = arith.constant 0 : i32
        %dma_wait3A_101 = tpu.memref_slice %arg6[%dma_wait3A, %dma_wait3A_99, %dma_wait3A_100] : memref<3x4x8192xf32, #tpu.memory_space<vmem>> -> memref<1x4x8192xf32, #tpu.memory_space<vmem>>
        %dma_wait3A_102 = tpu.memref_squeeze %dma_wait3A_101 : memref<1x4x8192xf32, #tpu.memory_space<vmem>> -> memref<4x8192xf32, #tpu.memory_space<vmem>>
        %dma_wait3A_103 = arith.constant 0 : i32
        %dma_wait3A_104 = tpu.memref_slice %arg4[%add3A_98, %dma_wait3A_103] : memref<8192x8192xf32, #tpu.memory_space<hbm>> -> memref<4x8192xf32, #tpu.memory_space<hbm>>
        %dma_wait3A_105 = arith.constant 0 : i32
        %dma_wait3A_106 = tpu.memref_slice %arg4[%add3A_98, %dma_wait3A_105] : memref<8192x8192xf32, #tpu.memory_space<hbm>> -> memref<4x8192xf32, #tpu.memory_space<hbm>>
        %dma_wait3A_107 = arith.constant 0 : i32
        %dma_wait3A_108 = arith.constant 0 : i32
        %dma_wait3A_109 = tpu.memref_slice %arg6[%dma_wait3A, %dma_wait3A_107, %dma_wait3A_108] : memref<3x4x8192xf32, #tpu.memory_space<vmem>> -> memref<1x4x8192xf32, #tpu.memory_space<vmem>>
        %dma_wait3A_110 = tpu.memref_squeeze %dma_wait3A_109 : memref<1x4x8192xf32, #tpu.memory_space<vmem>> -> memref<4x8192xf32, #tpu.memory_space<vmem>>
        tpu.wait_dma2 semaphore(%arg12 : memref<!tpu.dma_semaphore, #tpu.memory_space<semaphore_mem>>) src(%dma_wait3A_110 : memref<4x8192xf32, #tpu.memory_space<vmem>>) dst(%dma_wait3A_106 : memref<4x8192xf32, #tpu.memory_space<hbm>>)
      } else {
      }
      %add3A_56 = arith.constant 1 : i32
      %add3A_57 = arith.addi %add3A_45, %add3A_56 : i32
      %lt3A_58 = arith.constant 64 : i32
      %lt3A_59 = arith.cmpi slt, %add3A_57, %lt3A_58 : i32
      %convert_element_type3A_60 = arith.extui %lt3A_59 : i1 to i32
      %cond3A_61 = arith.constant 0 : i32
      %cond3A_62 = arith.cmpi ne, %convert_element_type3A_60, %cond3A_61 : i32
      scf.if %cond3A_62 {
        %add3A_94 = arith.constant 1 : i32
        %add3A_95 = arith.addi %add3A_45, %add3A_94 : i32
        %dma_start3A_96 = arith.constant 2 : i32
        %dma_start3A_97 = arith.constant 0 : i32
        %dma_start3A_98 = arith.constant 0 : i32
        %dma_start3A_99 = tpu.memref_slice %arg6[%dma_start3A_96, %dma_start3A_97, %dma_start3A_98] : memref<3x4x8192xf32, #tpu.memory_space<vmem>> -> memref<1x4x8192xf32, #tpu.memory_space<vmem>>
        %dma_start3A_100 = tpu.memref_squeeze %dma_start3A_99 : memref<1x4x8192xf32, #tpu.memory_space<vmem>> -> memref<4x8192xf32, #tpu.memory_space<vmem>>
        %dma_start3A_101 = arith.constant 0 : i32
        %dma_start3A_102 = tpu.memref_slice %arg5[%add3A_95, %dma_start3A_101] : memref<64x4xi32, #tpu.memory_space<vmem>> -> memref<1x4xi32, #tpu.memory_space<vmem>>
        %dma_start3A_103 = tpu.memref_squeeze %dma_start3A_102 : memref<1x4xi32, #tpu.memory_space<vmem>> -> memref<4xi32, #tpu.memory_space<vmem>>
        %dma_start3A_104 = arith.constant 0 : i32
        %dma_start3A_105 = arith.constant 0 : i32
        %dma_start3A_106 = tpu.memref_slice %arg3[%dma_start3A_104, %dma_start3A_105] : memref<8192x8192xf32, #tpu.memory_space<hbm>> -> memref<8192x8192xf32, #tpu.memory_space<hbm>>
        tpu.enqueue_indirect_dma source(%dma_start3A_106 : memref<8192x8192xf32, #tpu.memory_space<hbm>>) target(%dma_start3A_100 : memref<4x8192xf32, #tpu.memory_space<vmem>>) offsets(%dma_start3A_103 : memref<4xi32, #tpu.memory_space<vmem>>) semaphore(%arg9 : memref<!tpu.dma_semaphore, #tpu.memory_space<semaphore_mem>>)
      } else {
      }
      %lt3A_63 = arith.constant 64 : i32
      %lt3A_64 = arith.cmpi slt, %add3A_45, %lt3A_63 : i32
      %convert_element_type3A_65 = arith.extui %lt3A_64 : i1 to i32
      %cond3A_66 = arith.constant 0 : i32
      %cond3A_67 = arith.cmpi ne, %convert_element_type3A_65, %cond3A_66 : i32
      scf.if %cond3A_67 {
        %dma_wait3A = arith.constant 1 : i32
        %dma_wait3A_94 = arith.constant 0 : i32
        %dma_wait3A_95 = arith.constant 0 : i32
        %dma_wait3A_96 = tpu.memref_slice %arg6[%dma_wait3A, %dma_wait3A_94, %dma_wait3A_95] : memref<3x4x8192xf32, #tpu.memory_space<vmem>> -> memref<1x4x8192xf32, #tpu.memory_space<vmem>>
        %dma_wait3A_97 = tpu.memref_squeeze %dma_wait3A_96 : memref<1x4x8192xf32, #tpu.memory_space<vmem>> -> memref<4x8192xf32, #tpu.memory_space<vmem>>
        %dma_wait3A_98 = arith.constant 0 : i32
        %dma_wait3A_99 = tpu.memref_slice %arg5[%add3A_45, %dma_wait3A_98] : memref<64x4xi32, #tpu.memory_space<vmem>> -> memref<1x4xi32, #tpu.memory_space<vmem>>
        %dma_wait3A_100 = tpu.memref_squeeze %dma_wait3A_99 : memref<1x4xi32, #tpu.memory_space<vmem>> -> memref<4xi32, #tpu.memory_space<vmem>>
        %dma_wait3A_101 = arith.constant 0 : i32
        %dma_wait3A_102 = arith.constant 0 : i32
        %dma_wait3A_103 = tpu.memref_slice %arg3[%dma_wait3A_101, %dma_wait3A_102] : memref<8192x8192xf32, #tpu.memory_space<hbm>> -> memref<8192x8192xf32, #tpu.memory_space<hbm>>
        tpu.wait_indirect_dma semaphore(%arg8 : memref<!tpu.dma_semaphore, #tpu.memory_space<semaphore_mem>>) src(%dma_wait3A_103 : memref<8192x8192xf32, #tpu.memory_space<hbm>>) dst(%dma_wait3A_97 : memref<4x8192xf32, #tpu.memory_space<vmem>>)
        %mul3A_104 = arith.constant 4 : i32
        %mul3A_105 = arith.muli %add3A_45, %mul3A_104 : i32
        %add3A_106 = arith.addi %mul3A_2, %mul3A_105 : i32
        %dma_start3A_107 = arith.constant 1 : i32
        %dma_start3A_108 = arith.constant 0 : i32
        %dma_start3A_109 = arith.constant 0 : i32
        %dma_start3A_110 = tpu.memref_slice %arg6[%dma_start3A_107, %dma_start3A_108, %dma_start3A_109] : memref<3x4x8192xf32, #tpu.memory_space<vmem>> -> memref<1x4x8192xf32, #tpu.memory_space<vmem>>
        %dma_start3A_111 = tpu.memref_squeeze %dma_start3A_110 : memref<1x4x8192xf32, #tpu.memory_space<vmem>> -> memref<4x8192xf32, #tpu.memory_space<vmem>>
        %dma_start3A_112 = arith.constant 0 : i32
        %dma_start3A_113 = tpu.memref_slice %arg4[%add3A_106, %dma_start3A_112] : memref<8192x8192xf32, #tpu.memory_space<hbm>> -> memref<4x8192xf32, #tpu.memory_space<hbm>>
        %dma_start3A_114 = arith.constant 0 : i32
        %dma_start3A_115 = tpu.memref_slice %arg4[%add3A_106, %dma_start3A_114] : memref<8192x8192xf32, #tpu.memory_space<hbm>> -> memref<4x8192xf32, #tpu.memory_space<hbm>>
        %dma_start3A_116 = arith.constant 0 : i32
        %dma_start3A_117 = arith.constant 0 : i32
        %dma_start3A_118 = tpu.memref_slice %arg6[%dma_start3A_107, %dma_start3A_116, %dma_start3A_117] : memref<3x4x8192xf32, #tpu.memory_space<vmem>> -> memref<1x4x8192xf32, #tpu.memory_space<vmem>>
        %dma_start3A_119 = tpu.memref_squeeze %dma_start3A_118 : memref<1x4x8192xf32, #tpu.memory_space<vmem>> -> memref<4x8192xf32, #tpu.memory_space<vmem>>
        tpu.enqueue_dma source(%dma_start3A_119 : memref<4x8192xf32, #tpu.memory_space<vmem>>) target(%dma_start3A_115 : memref<4x8192xf32, #tpu.memory_space<hbm>>) target_semaphore(%arg11 : memref<!tpu.dma_semaphore, #tpu.memory_space<semaphore_mem>>)
      } else {
      }
      %mul3A_68 = arith.constant 3 : i32
      %mul3A_69 = arith.muli %scan3A_21, %mul3A_68 : i32
      %add3A_70 = arith.constant 2 : i32
      %add3A_71 = arith.addi %mul3A_69, %add3A_70 : i32
      %ge3A_72 = arith.constant 2 : i32
      %ge3A_73 = arith.cmpi sge, %add3A_71, %ge3A_72 : i32
      %sub3A_74 = arith.constant 2 : i32
      %sub3A_75 = arith.subi %add3A_71, %sub3A_74 : i32
      %lt3A_76 = arith.constant 64 : i32
      %lt3A_77 = arith.cmpi slt, %sub3A_75, %lt3A_76 : i32
      %and3A_78 = arith.andi %ge3A_73, %lt3A_77 : i1
      %convert_element_type3A_79 = arith.extui %and3A_78 : i1 to i32
      %cond3A_80 = arith.constant 0 : i32
      %cond3A_81 = arith.cmpi ne, %convert_element_type3A_79, %cond3A_80 : i32
      scf.if %cond3A_81 {
        %sub3A_94 = arith.constant 2 : i32
        %sub3A_95 = arith.subi %add3A_71, %sub3A_94 : i32
        %mul3A_96 = arith.constant 4 : i32
        %mul3A_97 = arith.muli %sub3A_95, %mul3A_96 : i32
        %add3A_98 = arith.addi %mul3A_2, %mul3A_97 : i32
        %dma_wait3A = arith.constant 0 : i32
        %dma_wait3A_99 = arith.constant 0 : i32
        %dma_wait3A_100 = arith.constant 0 : i32
        %dma_wait3A_101 = tpu.memref_slice %arg6[%dma_wait3A, %dma_wait3A_99, %dma_wait3A_100] : memref<3x4x8192xf32, #tpu.memory_space<vmem>> -> memref<1x4x8192xf32, #tpu.memory_space<vmem>>
        %dma_wait3A_102 = tpu.memref_squeeze %dma_wait3A_101 : memref<1x4x8192xf32, #tpu.memory_space<vmem>> -> memref<4x8192xf32, #tpu.memory_space<vmem>>
        %dma_wait3A_103 = arith.constant 0 : i32
        %dma_wait3A_104 = tpu.memref_slice %arg4[%add3A_98, %dma_wait3A_103] : memref<8192x8192xf32, #tpu.memory_space<hbm>> -> memref<4x8192xf32, #tpu.memory_space<hbm>>
        %dma_wait3A_105 = arith.constant 0 : i32
        %dma_wait3A_106 = tpu.memref_slice %arg4[%add3A_98, %dma_wait3A_105] : memref<8192x8192xf32, #tpu.memory_space<hbm>> -> memref<4x8192xf32, #tpu.memory_space<hbm>>
        %dma_wait3A_107 = arith.constant 0 : i32
        %dma_wait3A_108 = arith.constant 0 : i32
        %dma_wait3A_109 = tpu.memref_slice %arg6[%dma_wait3A, %dma_wait3A_107, %dma_wait3A_108] : memref<3x4x8192xf32, #tpu.memory_space<vmem>> -> memref<1x4x8192xf32, #tpu.memory_space<vmem>>
        %dma_wait3A_110 = tpu.memref_squeeze %dma_wait3A_109 : memref<1x4x8192xf32, #tpu.memory_space<vmem>> -> memref<4x8192xf32, #tpu.memory_space<vmem>>
        tpu.wait_dma2 semaphore(%arg10 : memref<!tpu.dma_semaphore, #tpu.memory_space<semaphore_mem>>) src(%dma_wait3A_110 : memref<4x8192xf32, #tpu.memory_space<vmem>>) dst(%dma_wait3A_106 : memref<4x8192xf32, #tpu.memory_space<hbm>>)
      } else {
      }
      %add3A_82 = arith.constant 1 : i32
      %add3A_83 = arith.addi %add3A_71, %add3A_82 : i32
      %lt3A_84 = arith.constant 64 : i32
      %lt3A_85 = arith.cmpi slt, %add3A_83, %lt3A_84 : i32
      %convert_element_type3A_86 = arith.extui %lt3A_85 : i1 to i32
      %cond3A_87 = arith.constant 0 : i32
      %cond3A_88 = arith.cmpi ne, %convert_element_type3A_86, %cond3A_87 : i32
      scf.if %cond3A_88 {
        %add3A_94 = arith.constant 1 : i32
        %add3A_95 = arith.addi %add3A_71, %add3A_94 : i32
        %dma_start3A_96 = arith.constant 0 : i32
        %dma_start3A_97 = arith.constant 0 : i32
        %dma_start3A_98 = arith.constant 0 : i32
        %dma_start3A_99 = tpu.memref_slice %arg6[%dma_start3A_96, %dma_start3A_97, %dma_start3A_98] : memref<3x4x8192xf32, #tpu.memory_space<vmem>> -> memref<1x4x8192xf32, #tpu.memory_space<vmem>>
        %dma_start3A_100 = tpu.memref_squeeze %dma_start3A_99 : memref<1x4x8192xf32, #tpu.memory_space<vmem>> -> memref<4x8192xf32, #tpu.memory_space<vmem>>
        %dma_start3A_101 = arith.constant 0 : i32
        %dma_start3A_102 = tpu.memref_slice %arg5[%add3A_95, %dma_start3A_101] : memref<64x4xi32, #tpu.memory_space<vmem>> -> memref<1x4xi32, #tpu.memory_space<vmem>>
        %dma_start3A_103 = tpu.memref_squeeze %dma_start3A_102 : memref<1x4xi32, #tpu.memory_space<vmem>> -> memref<4xi32, #tpu.memory_space<vmem>>
        %dma_start3A_104 = arith.constant 0 : i32
        %dma_start3A_105 = arith.constant 0 : i32
        %dma_start3A_106 = tpu.memref_slice %arg3[%dma_start3A_104, %dma_start3A_105] : memref<8192x8192xf32, #tpu.memory_space<hbm>> -> memref<8192x8192xf32, #tpu.memory_space<hbm>>
        tpu.enqueue_indirect_dma source(%dma_start3A_106 : memref<8192x8192xf32, #tpu.memory_space<hbm>>) target(%dma_start3A_100 : memref<4x8192xf32, #tpu.memory_space<vmem>>) offsets(%dma_start3A_103 : memref<4xi32, #tpu.memory_space<vmem>>) semaphore(%arg7 : memref<!tpu.dma_semaphore, #tpu.memory_space<semaphore_mem>>)
      } else {
      }
      %lt3A_89 = arith.constant 64 : i32
      %lt3A_90 = arith.cmpi slt, %add3A_71, %lt3A_89 : i32
      %convert_element_type3A_91 = arith.extui %lt3A_90 : i1 to i32
      %cond3A_92 = arith.constant 0 : i32
      %cond3A_93 = arith.cmpi ne, %convert_element_type3A_91, %cond3A_92 : i32
      scf.if %cond3A_93 {
        %dma_wait3A = arith.constant 2 : i32
        %dma_wait3A_94 = arith.constant 0 : i32
        %dma_wait3A_95 = arith.constant 0 : i32
        %dma_wait3A_96 = tpu.memref_slice %arg6[%dma_wait3A, %dma_wait3A_94, %dma_wait3A_95] : memref<3x4x8192xf32, #tpu.memory_space<vmem>> -> memref<1x4x8192xf32, #tpu.memory_space<vmem>>
        %dma_wait3A_97 = tpu.memref_squeeze %dma_wait3A_96 : memref<1x4x8192xf32, #tpu.memory_space<vmem>> -> memref<4x8192xf32, #tpu.memory_space<vmem>>
        %dma_wait3A_98 = arith.constant 0 : i32
        %dma_wait3A_99 = tpu.memref_slice %arg5[%add3A_71, %dma_wait3A_98] : memref<64x4xi32, #tpu.memory_space<vmem>> -> memref<1x4xi32, #tpu.memory_space<vmem>>
        %dma_wait3A_100 = tpu.memref_squeeze %dma_wait3A_99 : memref<1x4xi32, #tpu.memory_space<vmem>> -> memref<4xi32, #tpu.memory_space<vmem>>
        %dma_wait3A_101 = arith.constant 0 : i32
        %dma_wait3A_102 = arith.constant 0 : i32
        %dma_wait3A_103 = tpu.memref_slice %arg3[%dma_wait3A_101, %dma_wait3A_102] : memref<8192x8192xf32, #tpu.memory_space<hbm>> -> memref<8192x8192xf32, #tpu.memory_space<hbm>>
        tpu.wait_indirect_dma semaphore(%arg9 : memref<!tpu.dma_semaphore, #tpu.memory_space<semaphore_mem>>) src(%dma_wait3A_103 : memref<8192x8192xf32, #tpu.memory_space<hbm>>) dst(%dma_wait3A_97 : memref<4x8192xf32, #tpu.memory_space<vmem>>)
        %mul3A_104 = arith.constant 4 : i32
        %mul3A_105 = arith.muli %add3A_71, %mul3A_104 : i32
        %add3A_106 = arith.addi %mul3A_2, %mul3A_105 : i32
        %dma_start3A_107 = arith.constant 2 : i32
        %dma_start3A_108 = arith.constant 0 : i32
        %dma_start3A_109 = arith.constant 0 : i32
        %dma_start3A_110 = tpu.memref_slice %arg6[%dma_start3A_107, %dma_start3A_108, %dma_start3A_109] : memref<3x4x8192xf32, #tpu.memory_space<vmem>> -> memref<1x4x8192xf32, #tpu.memory_space<vmem>>
        %dma_start3A_111 = tpu.memref_squeeze %dma_start3A_110 : memref<1x4x8192xf32, #tpu.memory_space<vmem>> -> memref<4x8192xf32, #tpu.memory_space<vmem>>
        %dma_start3A_112 = arith.constant 0 : i32
        %dma_start3A_113 = tpu.memref_slice %arg4[%add3A_106, %dma_start3A_112] : memref<8192x8192xf32, #tpu.memory_space<hbm>> -> memref<4x8192xf32, #tpu.memory_space<hbm>>
        %dma_start3A_114 = arith.constant 0 : i32
        %dma_start3A_115 = tpu.memref_slice %arg4[%add3A_106, %dma_start3A_114] : memref<8192x8192xf32, #tpu.memory_space<hbm>> -> memref<4x8192xf32, #tpu.memory_space<hbm>>
        %dma_start3A_116 = arith.constant 0 : i32
        %dma_start3A_117 = arith.constant 0 : i32
        %dma_start3A_118 = tpu.memref_slice %arg6[%dma_start3A_107, %dma_start3A_116, %dma_start3A_117] : memref<3x4x8192xf32, #tpu.memory_space<vmem>> -> memref<1x4x8192xf32, #tpu.memory_space<vmem>>
        %dma_start3A_119 = tpu.memref_squeeze %dma_start3A_118 : memref<1x4x8192xf32, #tpu.memory_space<vmem>> -> memref<4x8192xf32, #tpu.memory_space<vmem>>
        tpu.enqueue_dma source(%dma_start3A_119 : memref<4x8192xf32, #tpu.memory_space<vmem>>) target(%dma_start3A_115 : memref<4x8192xf32, #tpu.memory_space<hbm>>) target_semaphore(%arg12 : memref<!tpu.dma_semaphore, #tpu.memory_space<semaphore_mem>>)
      } else {
      }
    }
    %scan3A_20 = arith.constant 22 : i32
    return
  }
}

</mosaic_0001>

<sc_bundles>
// kernel: _gather_rows.3.cloned.1.call-start
scs
__scs_entry_jumppad:
0x0: {  	(pc) =	sbr.rel $0x88, $3  }
0x1: {  	(tag) =	ssettag $0x0;
	lr =	simm.s32 $0x1  }
0x2: {  	[smem:$0x3F9F] =	sst lr;
	_ =	strace $0xD0000000  }
0x3: {  	_ = 	snop  }
0x4: {  	_ = 	snop  }
0x5: {  	_ = 	snop  }
0x6: {  	_ = 	snop  }
0x7: {  	_ = 	snop  }
__scs_overlays_trampoline_lowered:
0x8: {  	[smem:$0x3FAE] =	sst s0  }
0x9: {  	[smem:$0x3FAF] =	sst s1  }
0xa: {  	[smem:$0x3FB0] =	sst s2  }
0xb: {  	[smem:$0x3FB1] =	sst s3  }
0xc: {  	[smem:$0x3FB2] =	sst s4  }
0xd: {  	[smem:$0x3FB3] =	sst s5  }
0xe: {  	[smem:$0x3FB4] =	sst s6  }
0xf: {  	[smem:$0x3FB5] =	sst s7  }
0x10: {  	[smem:$0x3FB6] =	sst s8  }
0x11: {  	[smem:$0x3FB7] =	sst s9;
	s0 =	simm.s32 @!p0 $0x0  }
0x12: {  	s1 =	sld [smem:$0x3F9D];
	s0 =	simm.s32 @p0 $0x1  }
0x13: {  	[smem:$0x3FB8] =	sst s0;
	s0 =	simm.s32 @!p1 $0x0  }
0x14: {  	s2 =	sld [smem:$0x3F9C];
	s0 =	simm.s32 @p1 $0x1  }
0x15: {  	[smem:$0x3FB9] =	sst s0;
	s0 =	simm.s32 @!p2 $0x0  }
0x16: {  	s3 =	sld [smem:$0x3FDB];
	s0 =	simm.s32 @p2 $0x1  }
0x17: {  	s4 =	simm.s32 $0x1BF5;
	[smem:$0x3FBB] =	sst s0  }
0x18: {  	s0 =	sld [smem:$0x3F9E];
	_ =	swait.ge [sflag:s4], $0x0  }
0x19: {  	s7 =	sld [smem:$0x3F9F]  }
0x1a: {  	s8 =	sadd.s32 $0xFFFFE003, lr  }
0x1b: {  	s9 =	sadd.s32 $0xFFFFFEF7, lr;
	s5 =	simm.s32 $0xFFFFFFFF;
	p2 =	slt.u32 s8, $0xFFFFF086  }
0x1c: {  	p1 =	slt.u32 s9, $0xF7A;
	s5 =	simm.s32 @!p2 $0x0  }
0x1d: {  	s5 =	simm.s32 @p1 $0x1;
	p0 =	seq.s32 s7, s2  }
0x1e: {  	s7 =	smul.u32 @!p0 $0xF7A, s2;
	p2 =	seq.s32 @!p0 s5, $0x0  }
0x1f: {  	s9 =	smul.u32 $0xF7A, s1;
	s8 =	simm.s32 @!p0 $0x1BF5;
	p2 =	por !p2, p0  }
0x20: {  	[sflag:s8] =	ssyncset.s32 @!p0 $0xFFFFF086;
	s6 =	sadd.s32 @!p0 s3, s7;
	s7 =	simm.s32 @!p0 $0x108  }
0x21: {  	s3 =	sadd.s32 s3, s9;
	s6 =	sadd.s32 @!p0 $0x88, s6;
	s7 =	simm.s32 @p2 $0x1082  }
0x22: {  	[simem:s7], [sflag:s8] =	dma.local @!p0 [hbm:s6], $0xF7A  }
0x23: {  	s9 =	sor.u32 $0xD0000000, s2;
	s6 =	simm.s32 $0x108;
	_ =	swait.ge @!p0 [sflag:s8], $0x0  }
0x24: {  	s3 =	sadd.s32 $0x88, s3;
	s6 =	simm.s32 @!p1 $0x1082;
	[sflag:s4] =	ssyncset.s32 $0xFFFFF086  }
0x25: {  	[simem:s6], [sflag:s4] =	dma.local [hbm:s3], $0xF7A  }
0x26: {  	[smem:$0x3F9F] =	sst s1;
	(tag) =	ssettag s2;
	_ =	strace s9  }
0x27: {  	s1 =	sld [smem:$0x3FAF]  }
0x28: {  	s2 =	sld [smem:$0x3FB0]  }
0x29: {  	s4 =	sld [smem:$0x3FB2]  }
0x2a: {  	p0 =	seq.s32 s5, $0x0;
	s5 =	sld [smem:$0x3FB3]  }
0x2b: {  	s6 =	sld [smem:$0x3FB4]  }
0x2c: {  	s7 =	sld [smem:$0x3FB5]  }
0x2d: {  	s3 =	simm.s32 $0x108;
	s8 =	sld [smem:$0x3FB6]  }
0x2e: {  	s3 =	simm.s32 @!p0 $0x1082;
	s9 =	sld [smem:$0x3FB7]  }
0x2f: {  	lr =	sadd.s32 s0, s3;
	s0 =	sld [smem:$0x3FAE]  }
0x30: {  	s3 =	sld [smem:$0x3FB1]  }
0x31: {  	[smem:$0x3FBA] =	sst s10  }
0x32: {  	s10 =	sld [smem:$0x3FB8];
	_ =	sdelay $0x3  }
0x33: {  	p0 =	seq.s32 s10, $0x1;
	s10 =	sld [smem:$0x3FBA];
	_ =	sdelay $0x3  }
0x34: {  	[smem:$0x3FBA] =	sst s10  }
0x35: {  	s10 =	sld [smem:$0x3FB9];
	_ =	sdelay $0x3  }
0x36: {  	p1 =	seq.s32 s10, $0x1;
	s10 =	sld [smem:$0x3FBA];
	_ =	sdelay $0x3  }
0x37: {  	[smem:$0x3FBA] =	sst s10  }
0x38: {  	s10 =	sld [smem:$0x3FBB]  }
0x39: {  	_ = 	snop;
	(pc) =	sbr.ind lr, $3  }
0x3a: {  	_ = 	snop  }
0x3b: {  	_ = 	snop  }
0x3c: {  	p2 =	seq.s32 s10, $0x1;
	s10 =	sld [smem:$0x3FBA]  }
0x3d: {  	_ =	shalt  }
0x3e: {  	_ =	shalt  }
0x3f: {  	_ =	shalt  }
0x40: {  	_ =	shalt  }
0x41: {  	_ =	shalt  }
0x42: {  	_ =	shalt  }
0x43: {  	_ =	shalt  }
0x44: {  	_ =	shalt  }
0x45: {  	_ =	shalt  }
0x46: {  	_ =	shalt  }
0x47: {  	_ =	shalt  }
0x48: {  	_ =	shalt  }
0x49: {  	_ =	shalt  }
0x4a: {  	_ =	shalt  }
0x4b: {  	_ =	shalt  }
0x4c: {  	_ =	shalt  }
0x4d: {  	_ =	shalt  }
0x4e: {  	_ =	shalt  }
0x4f: {  	_ =	shalt  }
0x50: {  	_ =	shalt  }
0x51: {  	_ =	shalt  }
0x52: {  	_ =	shalt  }
0x53: {  	_ =	shalt  }
0x54: {  	_ =	shalt  }
0x55: {  	_ =	shalt  }
0x56: {  	_ =	shalt  }
0x57: {  	_ =	shalt  }
0x58: {  	_ =	shalt  }
0x59: {  	_ =	shalt  }
0x5a: {  	_ =	shalt  }
0x5b: {  	_ =	shalt  }
0x5c: {  	_ =	shalt  }
0x5d: {  	_ =	shalt  }
0x5e: {  	_ =	shalt  }
0x5f: {  	_ =	shalt  }
0x60: {  	_ =	shalt  }
0x61: {  	_ =	shalt  }
0x62: {  	_ =	shalt  }
0x63: {  	_ =	shalt  }
0x64: {  	_ =	shalt  }
0x65: {  	_ =	shalt  }
0x66: {  	_ =	shalt  }
0x67: {  	_ =	shalt  }
0x68: {  	_ =	shalt  }
0x69: {  	_ =	shalt  }
0x6a: {  	_ =	shalt  }
0x6b: {  	_ =	shalt  }
0x6c: {  	_ =	shalt  }
0x6d: {  	_ =	shalt  }
0x6e: {  	_ =	shalt  }
0x6f: {  	_ =	shalt  }
0x70: {  	_ =	shalt  }
0x71: {  	_ =	shalt  }
0x72: {  	_ =	shalt  }
0x73: {  	_ =	shalt  }
0x74: {  	_ =	shalt  }
0x75: {  	_ =	shalt  }
0x76: {  	_ =	shalt  }
0x77: {  	_ =	shalt  }
0x78: {  	_ =	shalt  }
0x79: {  	_ =	shalt  }
0x7a: {  	_ =	shalt  }
0x7b: {  	_ =	shalt  }
0x7c: {  	_ =	shalt  }
0x7d: {  	_ =	shalt  }
0x7e: {  	_ =	shalt  }
0x7f: {  	_ =	shalt  }
0x80: {  	_ =	shalt  }
0x81: {  	_ =	shalt  }
0x82: {  	_ =	shalt  }
0x83: {  	_ =	shalt  }
0x84: {  	_ =	shalt  }
0x85: {  	_ =	shalt  }
0x86: {  	_ =	shalt  }
0x87: {  	_ =	shalt  }
.Lfunc_end0:
.L_simem_size_0:
called_computation_lowered:
.L_overlay_start_0:
0x88: {  	s2 =	sld [smem:$0x3FD9]  }
0x89: {  	s3 =	sld [smem:$0x3FFE];
	_ =	sdelay $0x1  }
0x8a: {  	s1 =	srdreg.scid  }
0x8b: {  	s0 =	sand.u32 $0x1, s1  }
0x8c: {  	s17 =	sshll.u32 s0, $0xA;
	s2 =	sadd.s32 s3, s2  }
0x8d: {  	s2 =	sadd.s32 s2, s17  }
0x8e: {  	[smem:$0x3FC6] =	sst s2  }
0x8f: {  	_ = 	snop  }
0x90: {  	s2 =	sld [smem:$0x3FC8]  }
0x91: {  	s18 =	sld [smem:$0x3FD0];
	(tm) =	ssettm $0x1  }
0x92: {  	s4 =	sld [smem:$0x3FFB];
	_ =	sdelay $0x3  }
0x93: {  	_ =	strace s4  }
0x94: {  	s4 =	sld [smem:$0x3FFC];
	_ =	sdelay $0x3  }
0x95: {  	_ =	strace s4  }
0x96: {  	s4 =	sld [smem:$0x3FFD];
	_ =	sdelay $0x3  }
0x97: {  	_ =	strace s4  }
0x98: {  	_ =	strace $0x8FFFFFFF  }
0x99: {  	s19 =	sld [smem:$0x3FDB];
	_ =	sdelay $0x1  }
0x9a: {  	s5 =	simm.s32 $_scs_section_size  }
0x9b: {  	s6 =	simm.s32 $_size__tile_overlayer_lowered;
	s7 =	simm.s32 $_tile_overlayer_lowered  }
0x9c: {  	s22 =	simm.s32 $0x1BFF;
	s21 =	sshll.u32 s7, $0x1;
	s4 =	sadd.s32 s5, s19  }
0x9d: {  	s8 =	simm.s32 $0x0;
	s20 =	sshll.u32 s6, $0x1;
	s6 =	sadd.s32 s21, s4  }
0x9e: {  	[timem:s8], [sflag:s22] =	dma.local [hbm:s6], s20  }
0x9f: {  	_ =	swait.ge [sflag:s22], s20  }
0xa0: {  	s5 =	ssub.s32 $0x0, s20;
	[sflag:s22] =	ssyncset.done $0x0  }
0xa1: {  	[sflag:s22] =	ssyncadd.s32 s5;
	_ =	sdelay $0x1  }
0xa2: {  	s23 =	simm.s32 $0x1B8B  }
0xa3: {  	_ =	swait.ge [sflag:s23], $0x1  }
0xa4: {  	[sflag:s23] =	ssyncset.done $0x0  }
0xa5: {  	s25 =	simm.s32 $0x1B8E;
	s24 =	sld [smem:$0x3FFE];
	[sflag:s23] =	ssyncadd.s32 $0xFFFFFFFF  }
0xa6: {  	s26 =	simm.s32 $execute0_lowered;
	[smem:$0x3FD2] =	sst s25  }
0xa7: {  	s6 =	sshll.u32 s26, $0x1;
	_ =	strace $0x80000046;
	[dreg:$0x1] =	wrdreg $0xFFFFFFFF  }
0xa8: {  	s28 =	simm.s32 $_size_execute0_lowered;
	s4 =	sadd.s32 s4, s6;
	[dreg:$0x0] =	wrdreg $0x0  }
0xa9: {  	s6 =	sshll.u32 s28, $0x1;
	[dreg:$0x2] =	wrdreg s4  }
0xaa: {  	[dreg:$0x3] =	wrdreg s6  }
0xab: {  	[dreg:$0x4] =	wrdreg $0xC0  }
0xac: {  	_ =	task [dreg:s8], $0x5FFFF  }
0xad: {  	[dreg:$0x1] =	wrdreg $0xFFFFFFFF  }
0xae: {  	[dreg:$0x0] =	wrdreg $0x60  }
0xaf: {  	[dreg:$0x2] =	wrdreg s24  }
0xb0: {  	[dreg:$0x3] =	wrdreg s2  }
0xb1: {  	[dreg:$0x4] =	wrdreg s18  }
0xb2: {  	[dreg:$0x5] =	wrdreg $0x9  }
0xb3: {  	_ =	task.clear_ibuf [dreg:s8], $0x6FFFF;
	_ =	strace $0x90000046  }
0xb4: {  	s29 =	simm.s32 $0x9;
	_ =	strace $0x80000048  }
0xb5: {  	_ =	swait.ge [sflag:s29], $0x1  }
0xb6: {  	[sflag:s29] =	ssyncadd.s32 $0xFFFFFFFF  }
0xb7: {  	_ =	strace $0x90000048  }
0xb8: {  	_ =	sfence  }
0xb9: {  	s30 =	sld [smem:$0x0];
	_ =	sdelay $0x2  }
0xba: {  	s31 =	sshll.u32 s1, $0xD;
	s1 =	sshrl.u32 s1, $0x2  }
0xbb: {  	s3 =	sand.u32 $0x4000, s31;
	s1 =	sadd.s32 s1, s30  }
0xbc: {  	s0 =	sor.u32 s3, s0;
	s1 =	sshll.u32 s1, $0x11  }
0xbd: {  	s0 =	sor.u32 s1, s0  }
0xbe: {  	s0 =	sadd.s32 $0x8F2B, s0  }
0xbf: {  	[sflag:s0] =	ssyncadd.remote.s32 $0x1  }
0xc0: {  	_ =	sfence.sel $0xFFFF  }
0xc1: {  	[dreg:$0x0] =	wrdreg $0xFFFFFFFF;
	(pc) =	sbr.abs _section_cstart, $3  }
0xc2: {  	[dreg:$0x1] =	wrdreg $0xFFFFFFFF  }
0xc3: {  	_ =	task.clear_ibuf [dreg:s8], $0x2FFFF;
	_ =	strace $0x9FFFFFFF  }
0xc4: {  	(tm) =	ssettm $0x7FFFFFFF  }
0xc5: {  	_ =	shalt  }
tec
execute0_lowered:
.L_overlay_start_1:
0x0: {  	(tag) =	ssettag $0x1  }
0x1: {  	s0 =	rddreg [dreg:$0x0]  }
0x2: {  	s21 =	rddreg [dreg:$0x1];
	s1 =	srdreg.scid  }
0x3: {  	s31 =	rddreg [dreg:$0x2];
	s2 =	stileid.u32  }
0x4: {  	s4 =	simm.s32 $0x0;
	s30 =	simm.s32 $0x200;
	s1 =	sand.u32 $0x1, s1  }
0x5: {  	s3 =	sshll.u32 s2, $0xB;
	[smem:$0x7FF] =	sst s4;
	s6 =	sadd.s32 $0x200, s21  }
0x6: {  	s7 =	sadd.s32 $0x400, s21;
	s8 =	sadd.s32 $0x600, s21;
	s9 =	sadd.s32 $0x800, s21  }
0x7: {  	s10 =	sadd.s32 $0xA00, s21;
	s11 =	sadd.s32 $0xC00, s21;
	s12 =	sadd.s32 $0xE00, s21  }
0x8: {  	s13 =	sadd.s32 $0x1000, s21;
	s14 =	sadd.s32 $0x1200, s21;
	s15 =	sadd.s32 $0x1400, s21  }
0x9: {  	s16 =	sadd.s32 $0x1600, s21;
	s17 =	sadd.s32 $0x1800, s21;
	s18 =	sadd.s32 $0x1A00, s21  }
0xa: {  	s19 =	sadd.s32 $0x1C00, s21;
	s20 =	sadd.s32 $0x1E00, s21;
	s5 =	sshll.u32 s1, $0xA  }
0xb: {  	s29 =	sshll.u32 s2, $0x13;
	s25 =	ssub.s32 $0x2, s1;
	s3 =	sor.u32 s5, s3  }
.Ltmp0:
0xc: {  	s26 =	sshrl.u32 s25, $0x1;
	s0 =	sadd.s32 s3, s0;
	(pc) =	sbr.rel .LBB2_1-.Ltmp0, $4  }
0xd: {  	_ =	strace $0x80000047;
	s3 =	ssub.s32 s25, s26;
	s0 =	sadd.s32 $0x400, s0  }
0xe: {  	v0 =	vlaneseq.u32;
	s1 =	sshll.u32 s1, $0x12;
	s28 =	smax.u32 s3, $0x1;
	[dreg:$0x4] =	wrdreg s0  }
0xf: {  	s2 =	smov.u32 s21;
	v1 =	vshrl.u32 v0, $0x2;
	[dreg:$0x5] =	wrdreg s28;
	s0 =	sor.u32 s1, s29  }
0x10: {  	vm0 =	vmmov $0xffff;
	v0 =	vand.u32 $0x3, v0;
	v1 =	vmul.u32 $0x8, v1;
	s5 =	simm.s32 $0x0;
	s3 =	simm.s32 $0x2000;
	[dreg:$0x6] =	wrdreg s0  }
.LBB2_4:
0x11: {  	s1 =	simm.s32 $0x4  }
0x12: {  	_ =	swait.ge [sflag:s1], $0x8000  }
0x13: {  	s5 =	rddreg [dreg:$0x7]  }
0x14: {  	s0 =	rddreg [dreg:$0x5];
	s5 =	sadd.s32 $0x1, s5  }
0x15: {  	p0 =	sne.s32 s5, s0  }
.Ltmp1:
0x16: {  	_ = 	snop;
	(pc) =	sbr.rel @!p0 .LBB2_5-.Ltmp1, $3  }
0x17: {  	_ =	sdelay $0x1  }
0x18: {  	[sflag:s1] =	ssyncset.done $0x0  }
0x19: {  	s3 =	simm.s32 $0x2000;
	[sflag:s1] =	ssyncadd.s32 $0xFFFF8000  }
.LBB2_1:
0x1a: {  	[dreg:$0x7] =	wrdreg s5  }
0x1b: {  	s0 =	rddreg [dreg:$0x4];
	s5 =	simm.s32 $0x7  }
0x1c: {  	[tilespmem:s4], [sflag:$0x7] =	stream.linear.gather [hbm4b:s0+s4], $0x2000, $0x38;
	[tilespmem:$0x1A000] =	vst v63  }
0x1d: {  	_ =	swait.ge [sflag:s5], $0x2000  }
0x1e: {  	[sflag:s5] =	ssyncset.done $0x0  }
0x1f: {  	[sflag:s5] =	ssyncadd.s32 $0xFFFFE000  }
0x20: {  	v2 =	vld.msk [tilespmem:$0x0], $0xf;
	_ =	sdelay $0x4  }
0x21: {  	v3 =	vshll.u32 v2, $0x6  }
0x22: {  	v2 =	vand.u32 $0x7, v2;
	v3 =	vand.u32 $0xFFFFFE00, v3  }
0x23: {  	v2 =	vor.u32 v2, v3  }
0x24: {  	v2 =	vperm.xlane v2, v0;
	_ =	sdelay $0x1  }
0x25: {  	v2 =	vadd.s32 v1, v2;
	_ =	sdelay $0x4  }
0x26: {  	[tilespmem:s3], [sflag:$0x1] =	stream.indirect_vreg.gather [hbm4b:s2+s4], $0x80, v2, vm0, $0xb8;
	[tilespmem:$0x1A000] =	vst v63  }
0x27: {  	s21 =	simm.s32 $0x2800  }
0x28: {  	[tilespmem:s21], [sflag:$0x1] =	stream.indirect_vreg.gather [hbm4b:s6+s4], $0x80, v2, vm0, $0xb8;
	[tilespmem:$0x1A000] =	vst v63  }
0x29: {  	s22 =	simm.s32 $0x3000  }
0x2a: {  	[tilespmem:s22], [sflag:$0x1] =	stream.indirect_vreg.gather [hbm4b:s7+s4], $0x80, v2, vm0, $0xb8;
	[tilespmem:$0x1A000] =	vst v63  }
0x2b: {  	s23 =	simm.s32 $0x3800  }
0x2c: {  	[tilespmem:s23], [sflag:$0x1] =	stream.indirect_vreg.gather [hbm4b:s8+s4], $0x80, v2, vm0, $0xb8;
	[tilespmem:$0x1A000] =	vst v63  }
0x2d: {  	s24 =	simm.s32 $0x4000  }
0x2e: {  	[tilespmem:s24], [sflag:$0x1] =	stream.indirect_vreg.gather [hbm4b:s9+s4], $0x80, v2, vm0, $0xb8;
	[tilespmem:$0x1A000] =	vst v63  }
0x2f: {  	s25 =	simm.s32 $0x4800  }
0x30: {  	[tilespmem:s25], [sflag:$0x1] =	stream.indirect_vreg.gather [hbm4b:s10+s4], $0x80, v2, vm0, $0xb8;
	[tilespmem:$0x1A000] =	vst v63  }
0x31: {  	s26 =	simm.s32 $0x5000  }
0x32: {  	[tilespmem:s26], [sflag:$0x1] =	stream.indirect_vreg.gather [hbm4b:s11+s4], $0x80, v2, vm0, $0xb8;
	[tilespmem:$0x1A000] =	vst v63  }
0x33: {  	s1 =	simm.s32 $0x5800  }
0x34: {  	[tilespmem:s1], [sflag:$0x1] =	stream.indirect_vreg.gather [hbm4b:s12+s4], $0x80, v2, vm0, $0xb8;
	[tilespmem:$0x1A000] =	vst v63  }
0x35: {  	s3 =	simm.s32 $0x6000  }
0x36: {  	[tilespmem:s3], [sflag:$0x1] =	stream.indirect_vreg.gather [hbm4b:s13+s4], $0x80, v2, vm0, $0xb8;
	[tilespmem:$0x1A000] =	vst v63  }
0x37: {  	s5 =	simm.s32 $0x6800  }
0x38: {  	[tilespmem:s5], [sflag:$0x1] =	stream.indirect_vreg.gather [hbm4b:s14+s4], $0x80, v2, vm0, $0xb8;
	[tilespmem:$0x1A000] =	vst v63  }
0x39: {  	s21 =	simm.s32 $0x7000  }
0x3a: {  	[tilespmem:s21], [sflag:$0x1] =	stream.indirect_vreg.gather [hbm4b:s15+s4], $0x80, v2, vm0, $0xb8;
	[tilespmem:$0x1A000] =	vst v63  }
0x3b: {  	s22 =	simm.s32 $0x7800  }
0x3c: {  	[tilespmem:s22], [sflag:$0x1] =	stream.indirect_vreg.gather [hbm4b:s16+s4], $0x80, v2, vm0, $0xb8;
	[tilespmem:$0x1A000] =	vst v63  }
0x3d: {  	s23 =	simm.s32 $0x8000  }
0x3e: {  	[tilespmem:s23], [sflag:$0x1] =	stream.indirect_vreg.gather [hbm4b:s17+s4], $0x80, v2, vm0, $0xb8;
	[tilespmem:$0x1A000] =	vst v63  }
0x3f: {  	s24 =	simm.s32 $0x8800  }
0x40: {  	[tilespmem:s24], [sflag:$0x1] =	stream.indirect_vreg.gather [hbm4b:s18+s4], $0x80, v2, vm0, $0xb8;
	[tilespmem:$0x1A000] =	vst v63  }
0x41: {  	s29 =	simm.s32 $0x100;
	s28 =	simm.s32 $0x2000;
	s25 =	simm.s32 $0x9000  }
0x42: {  	[tilespmem:s25], [sflag:$0x1] =	stream.indirect_vreg.gather [hbm4b:s19+s4], $0x80, v2, vm0, $0xb8;
	[tilespmem:$0x1A000] =	vst v63  }
0x43: {  	s26 =	simm.s32 $0x9800;
	s3 =	simm.s32 $0x0;
	s21 =	simm.s32 $0x0  }
0x44: {  	[tilespmem:s26], [sflag:$0x1] =	stream.indirect_vreg.gather [hbm4b:s20+s4], $0x80, v2, vm0, $0xb8;
	[tilespmem:$0x1A000] =	vst v63  }
0x45: {  	s23 =	simm.s32 $0xFFFFFFFE;
	s25 =	simm.s32 $0x40;
	s26 =	simm.s32 $0x400  }
.LBB2_2:
0x46: {  	p0 =	sgt.u32 s23, $0x3F  }
0x47: {  	s22 =	simm.s32 @!p0 $0x5  }
0x48: {  	_ =	swait.ge @!p0 [sflag:s22], $0x8000  }
0x49: {  	[sflag:s22] =	ssyncset.done @!p0 $0x0  }
0x4a: {  	[sflag:s22] =	ssyncadd.s32 @!p0 $0xFFFF8000;
	p0 =	seq.s32 s3, $0x3F000  }
0x4b: {  	v2 =	vld.msk @!p0 [tilespmem:s29+$0xFFFFFF80], $0xf;
	_ =	sdelay $0x4  }
0x4c: {  	v3 =	vshll.u32 @!p0 v2, $0x6  }
0x4d: {  	v4 =	vlaneseq.u32 @!p0;
	v2 =	vand.u32 @!p0 $0x7, v2;
	v3 =	vand.u32 @!p0 $0xFFFFFE00, v3  }
0x4e: {  	v2 =	vor.u32 @!p0 v2, v3;
	v3 =	vand.u32 @!p0 $0x3, v4;
	v4 =	vshrl.u32 @!p0 v4, $0x2  }
0x4f: {  	v2 =	vperm.xlane @!p0 v2, v3;
	v3 =	vmul.u32 @!p0 $0x8, v4;
	_ =	sdelay $0x1  }
0x50: {  	v2 =	vadd.s32 @!p0 v3, v2;
	_ =	sdelay $0x3  }
0x51: {  	vm1 =	vmmov @!p0 $0xffff;
	s22 =	simm.s32 @!p0 $0x0;
	s24 =	simm.s32 @!p0 $0xA000  }
0x52: {  	[tilespmem:s24], [sflag:$0x2] =	stream.indirect_vreg.gather @!p0 [hbm4b:s2+s22], $0x80, v2, vm1, $0xb8;
	[tilespmem:$0x1A000] =	vst v63  }
0x53: {  	s24 =	simm.s32 @!p0 $0xA800  }
0x54: {  	[tilespmem:s24], [sflag:$0x2] =	stream.indirect_vreg.gather @!p0 [hbm4b:s6+s22], $0x80, v2, vm1, $0xb8;
	[tilespmem:$0x1A000] =	vst v63  }
0x55: {  	s24 =	simm.s32 @!p0 $0xB000  }
0x56: {  	[tilespmem:s24], [sflag:$0x2] =	stream.indirect_vreg.gather @!p0 [hbm4b:s7+s22], $0x80, v2, vm1, $0xb8;
	[tilespmem:$0x1A000] =	vst v63  }
0x57: {  	s24 =	simm.s32 @!p0 $0xB800  }
0x58: {  	[tilespmem:s24], [sflag:$0x2] =	stream.indirect_vreg.gather @!p0 [hbm4b:s8+s22], $0x80, v2, vm1, $0xb8;
	[tilespmem:$0x1A000] =	vst v63  }
0x59: {  	s24 =	simm.s32 @!p0 $0xC000  }
0x5a: {  	[tilespmem:s24], [sflag:$0x2] =	stream.indirect_vreg.gather @!p0 [hbm4b:s9+s22], $0x80, v2, vm1, $0xb8;
	[tilespmem:$0x1A000] =	vst v63  }
0x5b: {  	s24 =	simm.s32 @!p0 $0xC800  }
0x5c: {  	[tilespmem:s24], [sflag:$0x2] =	stream.indirect_vreg.gather @!p0 [hbm4b:s10+s22], $0x80, v2, vm1, $0xb8;
	[tilespmem:$0x1A000] =	vst v63  }
0x5d: {  	s24 =	simm.s32 @!p0 $0xD000  }
0x5e: {  	[tilespmem:s24], [sflag:$0x2] =	stream.indirect_vreg.gather @!p0 [hbm4b:s11+s22], $0x80, v2, vm1, $0xb8;
	[tilespmem:$0x1A000] =	vst v63  }
0x5f: {  	s24 =	simm.s32 @!p0 $0xD800  }
0x60: {  	[tilespmem:s24], [sflag:$0x2] =	stream.indirect_vreg.gather @!p0 [hbm4b:s12+s22], $0x80, v2, vm1, $0xb8;
	[tilespmem:$0x1A000] =	vst v63  }
0x61: {  	s24 =	simm.s32 @!p0 $0xE000  }
0x62: {  	[tilespmem:s24], [sflag:$0x2] =	stream.indirect_vreg.gather @!p0 [hbm4b:s13+s22], $0x80, v2, vm1, $0xb8;
	[tilespmem:$0x1A000] =	vst v63  }
0x63: {  	s24 =	simm.s32 @!p0 $0xE800  }
0x64: {  	[tilespmem:s24], [sflag:$0x2] =	stream.indirect_vreg.gather @!p0 [hbm4b:s14+s22], $0x80, v2, vm1, $0xb8;
	[tilespmem:$0x1A000] =	vst v63  }
0x65: {  	s24 =	simm.s32 @!p0 $0xF000  }
0x66: {  	[tilespmem:s24], [sflag:$0x2] =	stream.indirect_vreg.gather @!p0 [hbm4b:s15+s22], $0x80, v2, vm1, $0xb8;
	[tilespmem:$0x1A000] =	vst v63  }
0x67: {  	s24 =	simm.s32 @!p0 $0xF800  }
0x68: {  	[tilespmem:s24], [sflag:$0x2] =	stream.indirect_vreg.gather @!p0 [hbm4b:s16+s22], $0x80, v2, vm1, $0xb8;
	[tilespmem:$0x1A000] =	vst v63  }
0x69: {  	s24 =	simm.s32 @!p0 $0x10000  }
0x6a: {  	[tilespmem:s24], [sflag:$0x2] =	stream.indirect_vreg.gather @!p0 [hbm4b:s17+s22], $0x80, v2, vm1, $0xb8;
	[tilespmem:$0x1A000] =	vst v63  }
0x6b: {  	s24 =	simm.s32 @!p0 $0x10800  }
0x6c: {  	[tilespmem:s24], [sflag:$0x2] =	stream.indirect_vreg.gather @!p0 [hbm4b:s18+s22], $0x80, v2, vm1, $0xb8;
	[tilespmem:$0x1A000] =	vst v63  }
0x6d: {  	s24 =	simm.s32 @!p0 $0x11000  }
0x6e: {  	[tilespmem:s24], [sflag:$0x2] =	stream.indirect_vreg.gather @!p0 [hbm4b:s19+s22], $0x80, v2, vm1, $0xb8;
	[tilespmem:$0x1A000] =	vst v63  }
0x6f: {  	s1 =	simm.s32 $0x1;
	s24 =	simm.s32 @!p0 $0x11800  }
0x70: {  	[tilespmem:s24], [sflag:$0x2] =	stream.indirect_vreg.gather @!p0 [hbm4b:s20+s22], $0x80, v2, vm1, $0xb8;
	[tilespmem:$0x1A000] =	vst v63  }
0x71: {  	_ =	swait.ge [sflag:s1], $0x8000  }
0x72: {  	s0 =	rddreg [dreg:$0x6]  }
0x73: {  	s22 =	sadd.s32 s3, s0;
	s0 =	sand.u32 $0x40, s21  }
0x74: {  	[sflag:s1] =	ssyncset.done $0x0;
	s5 =	sand.u32 $0xFFE000, s22;
	s24 =	sadd.s32 s31, s0  }
0x75: {  	[sflag:s1] =	ssyncadd.s32 $0xFFFF8000;
	s5 =	sadd.s32 s5, s24  }
0x76: {  	[hbm4b:s5+s30] =	stream.strided.scatter [tilespmem:s28], [sflag:$0x4], $0x8000, s26, s30, $0x38;
	[tilespmem:$0x1A000] =	vst v63  }
0x77: {  	s28 =	sadd.s32 $0x1, s23  }
.Ltmp2:
0x78: {  	p1 =	sgt.u32 s28, $0x3F;
	(pc) =	sbr.rel @p0 .LBB2_4-.Ltmp2, $4  }
0x79: {  	s5 =	simm.s32 @!p1 $0x6  }
0x7a: {  	_ =	swait.ge @!p1 [sflag:s5], $0x8000  }
0x7b: {  	[sflag:s5] =	ssyncset.done @!p1 $0x0  }
0x7c: {  	s1 =	simm.s32 $0x400;
	[sflag:s5] =	ssyncadd.s32 @!p1 $0xFFFF8000  }
0x7d: {  	v2 =	vld.msk [tilespmem:s29+$0x0], $0xf;
	_ =	sdelay $0x4  }
0x7e: {  	v3 =	vshll.u32 v2, $0x6  }
0x7f: {  	v2 =	vand.u32 $0x7, v2;
	v3 =	vand.u32 $0xFFFFFE00, v3  }
0x80: {  	v2 =	vor.u32 v2, v3  }
0x81: {  	v2 =	vperm.xlane v2, v0;
	_ =	sdelay $0x1  }
0x82: {  	v2 =	vadd.s32 v1, v2;
	_ =	sdelay $0x3  }
0x83: {  	s26 =	simm.s32 $0x12000  }
0x84: {  	[tilespmem:s26], [sflag:$0x3] =	stream.indirect_vreg.gather [hbm4b:s2+s4], $0x80, v2, vm0, $0xb8;
	[tilespmem:$0x1A000] =	vst v63  }
0x85: {  	s0 =	simm.s32 $0x12800  }
0x86: {  	[tilespmem:s0], [sflag:$0x3] =	stream.indirect_vreg.gather [hbm4b:s6+s4], $0x80, v2, vm0, $0xb8;
	[tilespmem:$0x1A000] =	vst v63  }
0x87: {  	s5 =	simm.s32 $0x13000  }
0x88: {  	[tilespmem:s5], [sflag:$0x3] =	stream.indirect_vreg.gather [hbm4b:s7+s4], $0x80, v2, vm0, $0xb8;
	[tilespmem:$0x1A000] =	vst v63  }
0x89: {  	s5 =	simm.s32 $0x13800  }
0x8a: {  	[tilespmem:s5], [sflag:$0x3] =	stream.indirect_vreg.gather [hbm4b:s8+s4], $0x80, v2, vm0, $0xb8;
	[tilespmem:$0x1A000] =	vst v63  }
0x8b: {  	s5 =	simm.s32 $0x14000  }
0x8c: {  	[tilespmem:s5], [sflag:$0x3] =	stream.indirect_vreg.gather [hbm4b:s9+s4], $0x80, v2, vm0, $0xb8;
	[tilespmem:$0x1A000] =	vst v63  }
0x8d: {  	s5 =	simm.s32 $0x14800  }
0x8e: {  	[tilespmem:s5], [sflag:$0x3] =	stream.indirect_vreg.gather [hbm4b:s10+s4], $0x80, v2, vm0, $0xb8;
	[tilespmem:$0x1A000] =	vst v63  }
0x8f: {  	s5 =	simm.s32 $0x15000  }
0x90: {  	[tilespmem:s5], [sflag:$0x3] =	stream.indirect_vreg.gather [hbm4b:s11+s4], $0x80, v2, vm0, $0xb8;
	[tilespmem:$0x1A000] =	vst v63  }
0x91: {  	s5 =	simm.s32 $0x15800  }
0x92: {  	[tilespmem:s5], [sflag:$0x3] =	stream.indirect_vreg.gather [hbm4b:s12+s4], $0x80, v2, vm0, $0xb8;
	[tilespmem:$0x1A000] =	vst v63  }
0x93: {  	s5 =	simm.s32 $0x16000  }
0x94: {  	[tilespmem:s5], [sflag:$0x3] =	stream.indirect_vreg.gather [hbm4b:s13+s4], $0x80, v2, vm0, $0xb8;
	[tilespmem:$0x1A000] =	vst v63  }
0x95: {  	s5 =	simm.s32 $0x16800  }
0x96: {  	[tilespmem:s5], [sflag:$0x3] =	stream.indirect_vreg.gather [hbm4b:s14+s4], $0x80, v2, vm0, $0xb8;
	[tilespmem:$0x1A000] =	vst v63  }
0x97: {  	s5 =	simm.s32 $0x17000  }
0x98: {  	[tilespmem:s5], [sflag:$0x3] =	stream.indirect_vreg.gather [hbm4b:s15+s4], $0x80, v2, vm0, $0xb8;
	[tilespmem:$0x1A000] =	vst v63  }
0x99: {  	s5 =	simm.s32 $0x17800  }
0x9a: {  	[tilespmem:s5], [sflag:$0x3] =	stream.indirect_vreg.gather [hbm4b:s16+s4], $0x80, v2, vm0, $0xb8;
	[tilespmem:$0x1A000] =	vst v63  }
0x9b: {  	s5 =	simm.s32 $0x18000  }
0x9c: {  	[tilespmem:s5], [sflag:$0x3] =	stream.indirect_vreg.gather [hbm4b:s17+s4], $0x80, v2, vm0, $0xb8;
	[tilespmem:$0x1A000] =	vst v63  }
0x9d: {  	s5 =	simm.s32 $0x18800  }
0x9e: {  	[tilespmem:s5], [sflag:$0x3] =	stream.indirect_vreg.gather [hbm4b:s18+s4], $0x80, v2, vm0, $0xb8;
	[tilespmem:$0x1A000] =	vst v63  }
0x9f: {  	s28 =	simm.s32 $0x2;
	s5 =	simm.s32 $0x19000  }
0xa0: {  	[tilespmem:s5], [sflag:$0x3] =	stream.indirect_vreg.gather [hbm4b:s19+s4], $0x80, v2, vm0, $0xb8;
	[tilespmem:$0x1A000] =	vst v63  }
0xa1: {  	s0 =	smov.u32 s31;
	s31 =	smov.u32 s2;
	s5 =	simm.s32 $0x19800  }
0xa2: {  	[tilespmem:s5], [sflag:$0x3] =	stream.indirect_vreg.gather [hbm4b:s20+s4], $0x80, v2, vm0, $0xb8;
	[tilespmem:$0x1A000] =	vst v63  }
0xa3: {  	s2 =	sand.u32 $0x40, s25;
	s5 =	sadd.s32 $0x1000, s22;
	_ =	swait.ge [sflag:s28], $0x8000  }
0xa4: {  	s2 =	sadd.s32 s0, s2;
	s5 =	sand.u32 $0xFFE000, s5;
	[sflag:s28] =	ssyncset.done $0x0  }
0xa5: {  	s2 =	sadd.s32 s5, s2;
	s5 =	simm.s32 $0xA000;
	[sflag:s28] =	ssyncadd.s32 $0xFFFF8000  }
0xa6: {  	[hbm4b:s2+s30] =	stream.strided.scatter [tilespmem:s5], [sflag:$0x5], $0x8000, s1, s30, $0x38;
	[tilespmem:$0x1A000] =	vst v63  }
0xa7: {  	s5 =	simm.s32 $0x4  }
0xa8: {  	_ =	swait.ge [sflag:s5], $0x8000  }
0xa9: {  	[sflag:s5] =	ssyncset.done $0x0  }
0xaa: {  	[sflag:s5] =	ssyncadd.s32 $0xFFFF8000  }
0xab: {  	v2 =	vld.msk [tilespmem:s29+$0x80], $0xf;
	_ =	sdelay $0x4  }
0xac: {  	v3 =	vshll.u32 v2, $0x6  }
0xad: {  	v2 =	vand.u32 $0x7, v2;
	v3 =	vand.u32 $0xFFFFFE00, v3  }
0xae: {  	v2 =	vor.u32 v2, v3  }
0xaf: {  	v2 =	vperm.xlane v2, v0;
	_ =	sdelay $0x1  }
0xb0: {  	v2 =	vadd.s32 v1, v2;
	_ =	sdelay $0x3  }
0xb1: {  	s28 =	simm.s32 $0x2000  }
0xb2: {  	[tilespmem:s28], [sflag:$0x1] =	stream.indirect_vreg.gather [hbm4b:s31+s4], $0x80, v2, vm0, $0xb8;
	[tilespmem:$0x1A000] =	vst v63  }
0xb3: {  	s5 =	simm.s32 $0x2800  }
0xb4: {  	[tilespmem:s5], [sflag:$0x1] =	stream.indirect_vreg.gather [hbm4b:s6+s4], $0x80, v2, vm0, $0xb8;
	[tilespmem:$0x1A000] =	vst v63  }
0xb5: {  	s5 =	simm.s32 $0x3000  }
0xb6: {  	[tilespmem:s5], [sflag:$0x1] =	stream.indirect_vreg.gather [hbm4b:s7+s4], $0x80, v2, vm0, $0xb8;
	[tilespmem:$0x1A000] =	vst v63  }
0xb7: {  	s5 =	simm.s32 $0x3800  }
0xb8: {  	[tilespmem:s5], [sflag:$0x1] =	stream.indirect_vreg.gather [hbm4b:s8+s4], $0x80, v2, vm0, $0xb8;
	[tilespmem:$0x1A000] =	vst v63  }
0xb9: {  	s5 =	simm.s32 $0x4000  }
0xba: {  	[tilespmem:s5], [sflag:$0x1] =	stream.indirect_vreg.gather [hbm4b:s9+s4], $0x80, v2, vm0, $0xb8;
	[tilespmem:$0x1A000] =	vst v63  }
0xbb: {  	s5 =	simm.s32 $0x4800  }
0xbc: {  	[tilespmem:s5], [sflag:$0x1] =	stream.indirect_vreg.gather [hbm4b:s10+s4], $0x80, v2, vm0, $0xb8;
	[tilespmem:$0x1A000] =	vst v63  }
0xbd: {  	s5 =	simm.s32 $0x5000  }
0xbe: {  	[tilespmem:s5], [sflag:$0x1] =	stream.indirect_vreg.gather [hbm4b:s11+s4], $0x80, v2, vm0, $0xb8;
	[tilespmem:$0x1A000] =	vst v63  }
0xbf: {  	s5 =	simm.s32 $0x5800  }
0xc0: {  	[tilespmem:s5], [sflag:$0x1] =	stream.indirect_vreg.gather [hbm4b:s12+s4], $0x80, v2, vm0, $0xb8;
	[tilespmem:$0x1A000] =	vst v63  }
0xc1: {  	s5 =	simm.s32 $0x6000  }
0xc2: {  	[tilespmem:s5], [sflag:$0x1] =	stream.indirect_vreg.gather [hbm4b:s13+s4], $0x80, v2, vm0, $0xb8;
	[tilespmem:$0x1A000] =	vst v63  }
0xc3: {  	s5 =	simm.s32 $0x6800  }
0xc4: {  	[tilespmem:s5], [sflag:$0x1] =	stream.indirect_vreg.gather [hbm4b:s14+s4], $0x80, v2, vm0, $0xb8;
	[tilespmem:$0x1A000] =	vst v63  }
0xc5: {  	s5 =	simm.s32 $0x7000  }
0xc6: {  	[tilespmem:s5], [sflag:$0x1] =	stream.indirect_vreg.gather [hbm4b:s15+s4], $0x80, v2, vm0, $0xb8;
	[tilespmem:$0x1A000] =	vst v63  }
0xc7: {  	s5 =	simm.s32 $0x7800  }
0xc8: {  	[tilespmem:s5], [sflag:$0x1] =	stream.indirect_vreg.gather [hbm4b:s16+s4], $0x80, v2, vm0, $0xb8;
	[tilespmem:$0x1A000] =	vst v63  }
0xc9: {  	s5 =	simm.s32 $0x8000  }
0xca: {  	[tilespmem:s5], [sflag:$0x1] =	stream.indirect_vreg.gather [hbm4b:s17+s4], $0x80, v2, vm0, $0xb8;
	[tilespmem:$0x1A000] =	vst v63  }
0xcb: {  	s5 =	simm.s32 $0x8800  }
0xcc: {  	[tilespmem:s5], [sflag:$0x1] =	stream.indirect_vreg.gather [hbm4b:s18+s4], $0x80, v2, vm0, $0xb8;
	[tilespmem:$0x1A000] =	vst v63  }
0xcd: {  	s5 =	simm.s32 $0x9000  }
0xce: {  	[tilespmem:s5], [sflag:$0x1] =	stream.indirect_vreg.gather [hbm4b:s19+s4], $0x80, v2, vm0, $0xb8;
	[tilespmem:$0x1A000] =	vst v63  }
0xcf: {  	s3 =	sadd.s32 $0x3000, s3;
	s5 =	simm.s32 $0x9800  }
0xd0: {  	[tilespmem:s5], [sflag:$0x1] =	stream.indirect_vreg.gather [hbm4b:s20+s4], $0x80, v2, vm0, $0xb8;
	[tilespmem:$0x1A000] =	vst v63  }
0xd1: {  	s21 =	sadd.s32 $0x40, s21;
	s23 =	sadd.s32 $0x3, s23;
	s5 =	simm.s32 $0x3  }
.Ltmp3:
0xd2: {  	s22 =	sadd.s32 $0x2000, s22;
	_ =	swait.ge [sflag:s5], $0x8000;
	(pc) =	sbr.rel .LBB2_2-.Ltmp3, $4  }
0xd3: {  	s25 =	sadd.s32 $0xC0, s25;
	s2 =	sand.u32 $0xFFE000, s22;
	[sflag:s5] =	ssyncset.done $0x0  }
0xd4: {  	s2 =	sadd.s32 s2, s24;
	s29 =	sadd.s32 $0x180, s29;
	[sflag:s5] =	ssyncadd.s32 $0xFFFF8000  }
0xd5: {  	[hbm4b:s2+s30] =	stream.strided.scatter [tilespmem:s26], [sflag:$0x6], $0x8000, s1, s30, $0x38;
	[tilespmem:$0x1A000] =	vst v63  }
0xd6: {  	s2 =	smov.u32 s31;
	s31 =	smov.u32 s0;
	s26 =	simm.s32 $0x400  }
.LBB2_5:
0xd7: {  	_ =	sfence.sel $0x180000  }
0xd8: {  	[bflag:$0x0] =	sbarrier.arrive $0xFFFF  }
0xd9: {  	_ =	strace $0x90000047  }
0xda: {  	s0 =	stileid.u32;
	[bflag:$0x2] =	sbarrier.arrive $0xFFFF  }
0xdb: {  	p0 =	sne.s32 s0, $0x0;
	s0 =	rddreg [dreg:$0x3]  }
0xdc: {  	s0 =	sadd.s32 @!p0 $0x100000, s0  }
0xdd: {  	[sflag:s0] =	ssyncadd.tile.s32 @!p0 $0x1;
	_ =	shalt  }
.Lfunc_end2:
_tile_overlayer_lowered:
.L_overlay_start_2:
0xde: {  	(tag) =	ssettag $0x2  }
0xdf: {  	s0 =	rddreg [dreg:$0x0];
	s2 =	stileid.u32  }
0xe0: {  	s1 =	rddreg [dreg:$0x1];
	p0 =	sne.s32 s2, $0x0  }
0xe1: {  	s3 =	rddreg [dreg:$0x2];
	[bflag:$0x3] =	sbarrier.arrive $0xFFFF;
	s2 =	simm.s32 @!p0 $0x1C07  }
0xe2: {  	[timem:s3], [sflag:s2] =	dma.local @!p0 [hbm:s0], s1  }
0xe3: {  	s0 =	simm.s32 @!p0 $0x7  }
0xe4: {  	_ =	swait.ge @!p0 [sflag:s0], s1  }
0xe5: {  	s1 =	ssub.s32 @!p0 $0x0, s1;
	[sflag:s0] =	ssyncset.done @!p0 $0x0  }
0xe6: {  	[sflag:s0] =	ssyncadd.s32 @!p0 s1  }
0xe7: {  	[bflag:$0x3] =	sbarrier.arrive $0xFFFF  }
0xe8: {  	_ =	shalt  }

</sc_bundles>
